<compile_context>
chip_gen: v7x
topology: tpu7x:2x2x1
jax: 0.10.2.dev20260603
libtpu: 0.0.44.dev20260713+nightly
codegen_flags: <defaults>
</compile_context>

<pallas_src>
import dataclasses
import functools

import jax
import jax.numpy as jnp
import numpy as np
from jax import lax
from jax.experimental import pallas as pl
from jax.experimental.pallas import tpu as pltpu
from jax.experimental.pallas import tpu_sc as plsc

_CUTOFF = 6.0
_GAMMA = 0.1
_RBF_K = 300
_N_NODES = 10000
_N_EDGES = 160000

_NUM_WORKERS = 32
_E_PER_W = _N_EDGES // _NUM_WORKERS
_LANES = 16
_E_PAD = ((_E_PER_W + _LANES - 1) // _LANES) * _LANES

_RBF_PAD = 304
_BE = 6400
_NSTEP = _N_EDGES // _BE


def _sc_norm_sq(pos_x, pos_y, pos_z, src, dst, attr_x, attr_y, attr_z):
    mesh = plsc.VectorSubcoreMesh(core_axis_name="c", subcore_axis_name="s")

    cp = pltpu.CompilerParams()
    if "needs_layout_passes" in pltpu.CompilerParams.__dataclass_fields__:
        cp = dataclasses.replace(cp, needs_layout_passes=False)

    @functools.partial(
        pl.kernel,
        compiler_params=cp,
        out_type=jax.ShapeDtypeStruct((_N_EDGES,), jnp.float32),
        mesh=mesh,
        scratch_types=[
            pltpu.VMEM((_N_NODES,), jnp.float32),
            pltpu.VMEM((_N_NODES,), jnp.float32),
            pltpu.VMEM((_N_NODES,), jnp.float32),
            pltpu.VMEM((_E_PAD,), jnp.int32),
            pltpu.VMEM((_E_PAD,), jnp.int32),
            pltpu.VMEM((_E_PAD,), jnp.float32),
            pltpu.VMEM((_E_PAD,), jnp.float32),
            pltpu.VMEM((_E_PAD,), jnp.float32),
            pltpu.VMEM((_E_PAD,), jnp.float32),
        ],
    )
    def k(px_hbm, py_hbm, pz_hbm, s_hbm, d_hbm, ax_hbm, ay_hbm, az_hbm, out_hbm,
          px, py, pz, si, di, ax, ay, az, nv):
        wid = lax.axis_index("s") * 2 + lax.axis_index("c")
        base = wid * _E_PER_W

        pltpu.sync_copy(px_hbm, px)
        pltpu.sync_copy(py_hbm, py)
        pltpu.sync_copy(pz_hbm, pz)
        pltpu.sync_copy(s_hbm.at[pl.ds(base, _E_PER_W)], si.at[pl.ds(0, _E_PER_W)])
        pltpu.sync_copy(d_hbm.at[pl.ds(base, _E_PER_W)], di.at[pl.ds(0, _E_PER_W)])
        pltpu.sync_copy(ax_hbm.at[pl.ds(base, _E_PER_W)], ax.at[pl.ds(0, _E_PER_W)])
        pltpu.sync_copy(ay_hbm.at[pl.ds(base, _E_PER_W)], ay.at[pl.ds(0, _E_PER_W)])
        pltpu.sync_copy(az_hbm.at[pl.ds(base, _E_PER_W)], az.at[pl.ds(0, _E_PER_W)])

        @pl.loop(0, _E_PAD, step=_LANES)
        def _(i):
            s = jnp.clip(si[pl.ds(i, _LANES)], 0, _N_NODES - 1)
            d = jnp.clip(di[pl.ds(i, _LANES)], 0, _N_NODES - 1)
            dx = plsc.load_gather(px, [d]) - plsc.load_gather(px, [s]) + ax[pl.ds(i, _LANES)]
            dy = plsc.load_gather(py, [d]) - plsc.load_gather(py, [s]) + ay[pl.ds(i, _LANES)]
            dz = plsc.load_gather(pz, [d]) - plsc.load_gather(pz, [s]) + az[pl.ds(i, _LANES)]
            nv[pl.ds(i, _LANES)] = dx * dx + dy * dy + dz * dz

        pltpu.sync_copy(nv.at[pl.ds(0, _E_PER_W)], out_hbm.at[pl.ds(base, _E_PER_W)])

    return k(pos_x, pos_y, pos_z, src, dst, attr_x, attr_y, attr_z)


def _tc_rbf(nsq, centers):

    def body(nsq_ref, c_ref, rbf_ref, dist_ref):
        dist = jnp.sqrt(nsq_ref[...])
        dist_ref[...] = dist
        diff = dist - c_ref[...]
        rbf_ref[...] = jnp.exp(-_GAMMA * (diff * diff))

    return pl.pallas_call(
        body,
        grid=(_NSTEP,),
        in_specs=[
            pl.BlockSpec((_BE, 1), lambda i: (i, 0)),
            pl.BlockSpec((1, _RBF_PAD), lambda i: (0, 0)),
        ],
        out_specs=[
            pl.BlockSpec((_BE, _RBF_PAD), lambda i: (i, 0)),
            pl.BlockSpec((_BE, 1), lambda i: (i, 0)),
        ],
        out_shape=[
            jax.ShapeDtypeStruct((_N_EDGES, _RBF_PAD), jnp.float32),
            jax.ShapeDtypeStruct((_N_EDGES, 1), jnp.float32),
        ],
        compiler_params=pltpu.CompilerParams(dimension_semantics=("parallel",)),
    )(nsq, centers)


def kernel(pos, edge_index, edge_attr):
    pos_t = pos.T
    attr_t = edge_attr.T
    nsq = _sc_norm_sq(pos_t[0], pos_t[1], pos_t[2],
                      edge_index[0], edge_index[1],
                      attr_t[0], attr_t[1], attr_t[2])
    centers = np.zeros((1, _RBF_PAD), np.float32)
    centers[0, :_RBF_K] = np.linspace(0.0, _CUTOFF, _RBF_K, dtype=np.float32)
    rbf_pad, dist = _tc_rbf(nsq.reshape(_N_EDGES, 1), jnp.asarray(centers))
    return (rbf_pad[:, :_RBF_K], dist)

# --- scband reference (transcript-rebuilt; emitter-appended) ---
"""Pipeline reference for scband-rbflayer-22686017258125 (READ-ONLY COPY).

The authoritative reference and input builder live on the scoring server;
editing this copy changes nothing except your own understanding.
"""

import jax, jax.numpy as jnp
import numpy as np

CUTOFF = 6.0
GAMMA = 0.1
RBF_K = 300
N_NODES = 10000
N_EDGES = 160000


def setup_inputs(seed: int = 0) -> dict:
    key = jax.random.key(seed)
    k1, k2, k3 = jax.random.split(key, 3)
    pos = jax.random.normal(k1, (N_NODES, 3), dtype=jnp.float32) * 3.0
    edge_index = jax.random.randint(k2, (2, N_EDGES), 0, N_NODES, dtype=jnp.int32)
    edge_attr = jax.random.normal(k3, (N_EDGES, 3), dtype=jnp.float32) * 0.1
    return {"pos": pos, "edge_index": edge_index, "edge_attr": edge_attr}


def reference(pos, edge_index, edge_attr):
    # dist vector = pos[dst] - pos[src]  (gather along node axis)
    dist = jnp.take(pos, edge_index[1], axis=0) - jnp.take(pos, edge_index[0], axis=0)
    dist = dist + edge_attr
    dist = jnp.linalg.norm(dist, ord=2, axis=1, keepdims=True)  # [E, 1]
    centers = jnp.asarray(np.linspace(0.0, CUTOFF, RBF_K, dtype=np.float32))  # [300]
    rbf_tensor = dist - centers  # [E, 300] via broadcast
    rbf_tensor = jnp.exp(-GAMMA * (rbf_tensor * rbf_tensor))
    return (rbf_tensor, dist)

if __name__ == "__main__":
    import jax
    _d = setup_inputs()
    print(jax.jit(kernel)(*tuple(_d.values())))

</pallas_src>

<mosaic_0001>
#map = affine_map<(d0, d1) -> (0)>
module attributes {stable_mosaic.version = 14 : i64} {
  func.func @k(%arg0: i32, %arg1: i32, %arg2: memref<10000xf32, #tpu.memory_space<hbm>>, %arg3: memref<10000xf32, #tpu.memory_space<hbm>>, %arg4: memref<10000xf32, #tpu.memory_space<hbm>>, %arg5: memref<160000xi32, #tpu.memory_space<hbm>>, %arg6: memref<160000xi32, #tpu.memory_space<hbm>>, %arg7: memref<160000xf32, #tpu.memory_space<hbm>>, %arg8: memref<160000xf32, #tpu.memory_space<hbm>>, %arg9: memref<160000xf32, #tpu.memory_space<hbm>>, %arg10: memref<160000xf32, #tpu.memory_space<hbm>>, %arg11: memref<10000xf32, #tpu.memory_space<vmem>>, %arg12: memref<10000xf32, #tpu.memory_space<vmem>>, %arg13: memref<10000xf32, #tpu.memory_space<vmem>>, %arg14: memref<5008xi32, #tpu.memory_space<vmem>>, %arg15: memref<5008xi32, #tpu.memory_space<vmem>>, %arg16: memref<5008xf32, #tpu.memory_space<vmem>>, %arg17: memref<5008xf32, #tpu.memory_space<vmem>>, %arg18: memref<5008xf32, #tpu.memory_space<vmem>>, %arg19: memref<5008xf32, #tpu.memory_space<vmem>>) attributes {dimension_semantics = [#tpu.dimension_semantics<core_parallel>, #tpu.dimension_semantics<subcore_parallel>], iteration_bounds = array<i64: 2, 16>, scalar_prefetch = 0 : i64, scratch_operands = 9 : i64, tpu.core_type = #tpu.core_type<sc_vector_subcore>, window_params = [{transform_indices = #map}, {transform_indices = #map}, {transform_indices = #map}, {transform_indices = #map}, {transform_indices = #map}, {transform_indices = #map}, {transform_indices = #map}, {transform_indices = #map}, {transform_indices = #map}]} {
    %mul3A = arith.constant 2 : i32
    %mul3A_0 = arith.muli %arg1, %mul3A : i32
    %add3A = arith.addi %mul3A_0, %arg0 : i32
    %mul3A_1 = arith.constant 5000 : i32
    %mul3A_2 = arith.muli %add3A, %mul3A_1 : i32
    "tpu.region"() ({
      %run_scoped3A = tpu.sem_alloc : memref<!tpu.dma_semaphore, #tpu.memory_space<semaphore_mem>>
      tpu.enqueue_dma source(%arg2 : memref<10000xf32, #tpu.memory_space<hbm>>) target(%arg11 : memref<10000xf32, #tpu.memory_space<vmem>>) target_semaphore(%run_scoped3A : memref<!tpu.dma_semaphore, #tpu.memory_space<semaphore_mem>>)
      tpu.wait_dma2 semaphore(%run_scoped3A : memref<!tpu.dma_semaphore, #tpu.memory_space<semaphore_mem>>) src(%arg2 : memref<10000xf32, #tpu.memory_space<hbm>>) dst(%arg11 : memref<10000xf32, #tpu.memory_space<vmem>>)
      tpu.yield
    }) : () -> ()
    "tpu.region"() ({
      %run_scoped3A = tpu.sem_alloc : memref<!tpu.dma_semaphore, #tpu.memory_space<semaphore_mem>>
      tpu.enqueue_dma source(%arg3 : memref<10000xf32, #tpu.memory_space<hbm>>) target(%arg12 : memref<10000xf32, #tpu.memory_space<vmem>>) target_semaphore(%run_scoped3A : memref<!tpu.dma_semaphore, #tpu.memory_space<semaphore_mem>>)
      tpu.wait_dma2 semaphore(%run_scoped3A : memref<!tpu.dma_semaphore, #tpu.memory_space<semaphore_mem>>) src(%arg3 : memref<10000xf32, #tpu.memory_space<hbm>>) dst(%arg12 : memref<10000xf32, #tpu.memory_space<vmem>>)
      tpu.yield
    }) : () -> ()
    "tpu.region"() ({
      %run_scoped3A = tpu.sem_alloc : memref<!tpu.dma_semaphore, #tpu.memory_space<semaphore_mem>>
      tpu.enqueue_dma source(%arg4 : memref<10000xf32, #tpu.memory_space<hbm>>) target(%arg13 : memref<10000xf32, #tpu.memory_space<vmem>>) target_semaphore(%run_scoped3A : memref<!tpu.dma_semaphore, #tpu.memory_space<semaphore_mem>>)
      tpu.wait_dma2 semaphore(%run_scoped3A : memref<!tpu.dma_semaphore, #tpu.memory_space<semaphore_mem>>) src(%arg4 : memref<10000xf32, #tpu.memory_space<hbm>>) dst(%arg13 : memref<10000xf32, #tpu.memory_space<vmem>>)
      tpu.yield
    }) : () -> ()
    "tpu.region"() ({
      %run_scoped3A = tpu.sem_alloc : memref<!tpu.dma_semaphore, #tpu.memory_space<semaphore_mem>>
      %dma_start3A = arith.constant 0 : i32
      %dma_start3A_7 = tpu.memref_slice %arg14[%dma_start3A] : memref<5008xi32, #tpu.memory_space<vmem>> -> memref<5000xi32, #tpu.memory_space<vmem>>
      %dma_start3A_8 = tpu.memref_slice %arg5[%mul3A_2] : memref<160000xi32, #tpu.memory_space<hbm>> -> memref<5000xi32, #tpu.memory_space<hbm>>
      %dma_start3A_9 = arith.constant 0 : i32
      %dma_start3A_10 = tpu.memref_slice %arg14[%dma_start3A_9] : memref<5008xi32, #tpu.memory_space<vmem>> -> memref<5000xi32, #tpu.memory_space<vmem>>
      %dma_start3A_11 = tpu.memref_slice %arg5[%mul3A_2] : memref<160000xi32, #tpu.memory_space<hbm>> -> memref<5000xi32, #tpu.memory_space<hbm>>
      tpu.enqueue_dma source(%dma_start3A_11 : memref<5000xi32, #tpu.memory_space<hbm>>) target(%dma_start3A_10 : memref<5000xi32, #tpu.memory_space<vmem>>) target_semaphore(%run_scoped3A : memref<!tpu.dma_semaphore, #tpu.memory_space<semaphore_mem>>)
      %dma_wait3A = arith.constant 0 : i32
      %dma_wait3A_12 = tpu.memref_slice %arg14[%dma_wait3A] : memref<5008xi32, #tpu.memory_space<vmem>> -> memref<5000xi32, #tpu.memory_space<vmem>>
      %dma_wait3A_13 = tpu.memref_slice %arg5[%mul3A_2] : memref<160000xi32, #tpu.memory_space<hbm>> -> memref<5000xi32, #tpu.memory_space<hbm>>
      %dma_wait3A_14 = arith.constant 0 : i32
      %dma_wait3A_15 = tpu.memref_slice %arg14[%dma_wait3A_14] : memref<5008xi32, #tpu.memory_space<vmem>> -> memref<5000xi32, #tpu.memory_space<vmem>>
      %dma_wait3A_16 = tpu.memref_slice %arg5[%mul3A_2] : memref<160000xi32, #tpu.memory_space<hbm>> -> memref<5000xi32, #tpu.memory_space<hbm>>
      tpu.wait_dma2 semaphore(%run_scoped3A : memref<!tpu.dma_semaphore, #tpu.memory_space<semaphore_mem>>) src(%dma_wait3A_16 : memref<5000xi32, #tpu.memory_space<hbm>>) dst(%dma_wait3A_15 : memref<5000xi32, #tpu.memory_space<vmem>>)
      tpu.yield
    }) : () -> ()
    "tpu.region"() ({
      %run_scoped3A = tpu.sem_alloc : memref<!tpu.dma_semaphore, #tpu.memory_space<semaphore_mem>>
      %dma_start3A = arith.constant 0 : i32
      %dma_start3A_7 = tpu.memref_slice %arg15[%dma_start3A] : memref<5008xi32, #tpu.memory_space<vmem>> -> memref<5000xi32, #tpu.memory_space<vmem>>
      %dma_start3A_8 = tpu.memref_slice %arg6[%mul3A_2] : memref<160000xi32, #tpu.memory_space<hbm>> -> memref<5000xi32, #tpu.memory_space<hbm>>
      %dma_start3A_9 = arith.constant 0 : i32
      %dma_start3A_10 = tpu.memref_slice %arg15[%dma_start3A_9] : memref<5008xi32, #tpu.memory_space<vmem>> -> memref<5000xi32, #tpu.memory_space<vmem>>
      %dma_start3A_11 = tpu.memref_slice %arg6[%mul3A_2] : memref<160000xi32, #tpu.memory_space<hbm>> -> memref<5000xi32, #tpu.memory_space<hbm>>
      tpu.enqueue_dma source(%dma_start3A_11 : memref<5000xi32, #tpu.memory_space<hbm>>) target(%dma_start3A_10 : memref<5000xi32, #tpu.memory_space<vmem>>) target_semaphore(%run_scoped3A : memref<!tpu.dma_semaphore, #tpu.memory_space<semaphore_mem>>)
      %dma_wait3A = arith.constant 0 : i32
      %dma_wait3A_12 = tpu.memref_slice %arg15[%dma_wait3A] : memref<5008xi32, #tpu.memory_space<vmem>> -> memref<5000xi32, #tpu.memory_space<vmem>>
      %dma_wait3A_13 = tpu.memref_slice %arg6[%mul3A_2] : memref<160000xi32, #tpu.memory_space<hbm>> -> memref<5000xi32, #tpu.memory_space<hbm>>
      %dma_wait3A_14 = arith.constant 0 : i32
      %dma_wait3A_15 = tpu.memref_slice %arg15[%dma_wait3A_14] : memref<5008xi32, #tpu.memory_space<vmem>> -> memref<5000xi32, #tpu.memory_space<vmem>>
      %dma_wait3A_16 = tpu.memref_slice %arg6[%mul3A_2] : memref<160000xi32, #tpu.memory_space<hbm>> -> memref<5000xi32, #tpu.memory_space<hbm>>
      tpu.wait_dma2 semaphore(%run_scoped3A : memref<!tpu.dma_semaphore, #tpu.memory_space<semaphore_mem>>) src(%dma_wait3A_16 : memref<5000xi32, #tpu.memory_space<hbm>>) dst(%dma_wait3A_15 : memref<5000xi32, #tpu.memory_space<vmem>>)
      tpu.yield
    }) : () -> ()
    "tpu.region"() ({
      %run_scoped3A = tpu.sem_alloc : memref<!tpu.dma_semaphore, #tpu.memory_space<semaphore_mem>>
      %dma_start3A = arith.constant 0 : i32
      %dma_start3A_7 = tpu.memref_slice %arg16[%dma_start3A] : memref<5008xf32, #tpu.memory_space<vmem>> -> memref<5000xf32, #tpu.memory_space<vmem>>
      %dma_start3A_8 = tpu.memref_slice %arg7[%mul3A_2] : memref<160000xf32, #tpu.memory_space<hbm>> -> memref<5000xf32, #tpu.memory_space<hbm>>
      %dma_start3A_9 = arith.constant 0 : i32
      %dma_start3A_10 = tpu.memref_slice %arg16[%dma_start3A_9] : memref<5008xf32, #tpu.memory_space<vmem>> -> memref<5000xf32, #tpu.memory_space<vmem>>
      %dma_start3A_11 = tpu.memref_slice %arg7[%mul3A_2] : memref<160000xf32, #tpu.memory_space<hbm>> -> memref<5000xf32, #tpu.memory_space<hbm>>
      tpu.enqueue_dma source(%dma_start3A_11 : memref<5000xf32, #tpu.memory_space<hbm>>) target(%dma_start3A_10 : memref<5000xf32, #tpu.memory_space<vmem>>) target_semaphore(%run_scoped3A : memref<!tpu.dma_semaphore, #tpu.memory_space<semaphore_mem>>)
      %dma_wait3A = arith.constant 0 : i32
      %dma_wait3A_12 = tpu.memref_slice %arg16[%dma_wait3A] : memref<5008xf32, #tpu.memory_space<vmem>> -> memref<5000xf32, #tpu.memory_space<vmem>>
      %dma_wait3A_13 = tpu.memref_slice %arg7[%mul3A_2] : memref<160000xf32, #tpu.memory_space<hbm>> -> memref<5000xf32, #tpu.memory_space<hbm>>
      %dma_wait3A_14 = arith.constant 0 : i32
      %dma_wait3A_15 = tpu.memref_slice %arg16[%dma_wait3A_14] : memref<5008xf32, #tpu.memory_space<vmem>> -> memref<5000xf32, #tpu.memory_space<vmem>>
      %dma_wait3A_16 = tpu.memref_slice %arg7[%mul3A_2] : memref<160000xf32, #tpu.memory_space<hbm>> -> memref<5000xf32, #tpu.memory_space<hbm>>
      tpu.wait_dma2 semaphore(%run_scoped3A : memref<!tpu.dma_semaphore, #tpu.memory_space<semaphore_mem>>) src(%dma_wait3A_16 : memref<5000xf32, #tpu.memory_space<hbm>>) dst(%dma_wait3A_15 : memref<5000xf32, #tpu.memory_space<vmem>>)
      tpu.yield
    }) : () -> ()
    "tpu.region"() ({
      %run_scoped3A = tpu.sem_alloc : memref<!tpu.dma_semaphore, #tpu.memory_space<semaphore_mem>>
      %dma_start3A = arith.constant 0 : i32
      %dma_start3A_7 = tpu.memref_slice %arg17[%dma_start3A] : memref<5008xf32, #tpu.memory_space<vmem>> -> memref<5000xf32, #tpu.memory_space<vmem>>
      %dma_start3A_8 = tpu.memref_slice %arg8[%mul3A_2] : memref<160000xf32, #tpu.memory_space<hbm>> -> memref<5000xf32, #tpu.memory_space<hbm>>
      %dma_start3A_9 = arith.constant 0 : i32
      %dma_start3A_10 = tpu.memref_slice %arg17[%dma_start3A_9] : memref<5008xf32, #tpu.memory_space<vmem>> -> memref<5000xf32, #tpu.memory_space<vmem>>
      %dma_start3A_11 = tpu.memref_slice %arg8[%mul3A_2] : memref<160000xf32, #tpu.memory_space<hbm>> -> memref<5000xf32, #tpu.memory_space<hbm>>
      tpu.enqueue_dma source(%dma_start3A_11 : memref<5000xf32, #tpu.memory_space<hbm>>) target(%dma_start3A_10 : memref<5000xf32, #tpu.memory_space<vmem>>) target_semaphore(%run_scoped3A : memref<!tpu.dma_semaphore, #tpu.memory_space<semaphore_mem>>)
      %dma_wait3A = arith.constant 0 : i32
      %dma_wait3A_12 = tpu.memref_slice %arg17[%dma_wait3A] : memref<5008xf32, #tpu.memory_space<vmem>> -> memref<5000xf32, #tpu.memory_space<vmem>>
      %dma_wait3A_13 = tpu.memref_slice %arg8[%mul3A_2] : memref<160000xf32, #tpu.memory_space<hbm>> -> memref<5000xf32, #tpu.memory_space<hbm>>
      %dma_wait3A_14 = arith.constant 0 : i32
      %dma_wait3A_15 = tpu.memref_slice %arg17[%dma_wait3A_14] : memref<5008xf32, #tpu.memory_space<vmem>> -> memref<5000xf32, #tpu.memory_space<vmem>>
      %dma_wait3A_16 = tpu.memref_slice %arg8[%mul3A_2] : memref<160000xf32, #tpu.memory_space<hbm>> -> memref<5000xf32, #tpu.memory_space<hbm>>
      tpu.wait_dma2 semaphore(%run_scoped3A : memref<!tpu.dma_semaphore, #tpu.memory_space<semaphore_mem>>) src(%dma_wait3A_16 : memref<5000xf32, #tpu.memory_space<hbm>>) dst(%dma_wait3A_15 : memref<5000xf32, #tpu.memory_space<vmem>>)
      tpu.yield
    }) : () -> ()
    "tpu.region"() ({
      %run_scoped3A = tpu.sem_alloc : memref<!tpu.dma_semaphore, #tpu.memory_space<semaphore_mem>>
      %dma_start3A = arith.constant 0 : i32
      %dma_start3A_7 = tpu.memref_slice %arg18[%dma_start3A] : memref<5008xf32, #tpu.memory_space<vmem>> -> memref<5000xf32, #tpu.memory_space<vmem>>
      %dma_start3A_8 = tpu.memref_slice %arg9[%mul3A_2] : memref<160000xf32, #tpu.memory_space<hbm>> -> memref<5000xf32, #tpu.memory_space<hbm>>
      %dma_start3A_9 = arith.constant 0 : i32
      %dma_start3A_10 = tpu.memref_slice %arg18[%dma_start3A_9] : memref<5008xf32, #tpu.memory_space<vmem>> -> memref<5000xf32, #tpu.memory_space<vmem>>
      %dma_start3A_11 = tpu.memref_slice %arg9[%mul3A_2] : memref<160000xf32, #tpu.memory_space<hbm>> -> memref<5000xf32, #tpu.memory_space<hbm>>
      tpu.enqueue_dma source(%dma_start3A_11 : memref<5000xf32, #tpu.memory_space<hbm>>) target(%dma_start3A_10 : memref<5000xf32, #tpu.memory_space<vmem>>) target_semaphore(%run_scoped3A : memref<!tpu.dma_semaphore, #tpu.memory_space<semaphore_mem>>)
      %dma_wait3A = arith.constant 0 : i32
      %dma_wait3A_12 = tpu.memref_slice %arg18[%dma_wait3A] : memref<5008xf32, #tpu.memory_space<vmem>> -> memref<5000xf32, #tpu.memory_space<vmem>>
      %dma_wait3A_13 = tpu.memref_slice %arg9[%mul3A_2] : memref<160000xf32, #tpu.memory_space<hbm>> -> memref<5000xf32, #tpu.memory_space<hbm>>
      %dma_wait3A_14 = arith.constant 0 : i32
      %dma_wait3A_15 = tpu.memref_slice %arg18[%dma_wait3A_14] : memref<5008xf32, #tpu.memory_space<vmem>> -> memref<5000xf32, #tpu.memory_space<vmem>>
      %dma_wait3A_16 = tpu.memref_slice %arg9[%mul3A_2] : memref<160000xf32, #tpu.memory_space<hbm>> -> memref<5000xf32, #tpu.memory_space<hbm>>
      tpu.wait_dma2 semaphore(%run_scoped3A : memref<!tpu.dma_semaphore, #tpu.memory_space<semaphore_mem>>) src(%dma_wait3A_16 : memref<5000xf32, #tpu.memory_space<hbm>>) dst(%dma_wait3A_15 : memref<5000xf32, #tpu.memory_space<vmem>>)
      tpu.yield
    }) : () -> ()
    %scan3A = arith.constant 0 : i32
    %scan3A_3 = arith.constant 313 : i32
    %scan3A_4 = arith.addi %scan3A, %scan3A_3 : i32
    %scan3A_5 = arith.constant 1 : i32
    scf.for %scan3A_7 = %scan3A to %scan3A_4 step %scan3A_5  : i32 {
      %mul3A_8 = arith.constant 16 : i32
      %mul3A_9 = arith.muli %scan3A_7, %mul3A_8 : i32
      %add3A_10 = arith.constant 0 : i32
      %add3A_11 = arith.addi %add3A_10, %mul3A_9 : i32
      %get3A = arith.index_cast %add3A_11 : i32 to index
      %get3A_12 = tpu.vector_load %arg14[%get3A] {strides = array<i32>} : memref<5008xi32, #tpu.memory_space<vmem>>, vector<16xi32>,
      %jit3A = arith.constant 0 : i32
      %jit3A_13 = arith.constant 9999 : i32
      %max3A = vector.broadcast %jit3A : i32 to vector<16xi32>
      %max3A_14 = arith.maxsi %max3A, %get3A_12 : vector<16xi32>
      %min3A = vector.broadcast %jit3A_13 : i32 to vector<16xi32>
      %min3A_15 = arith.minsi %min3A, %max3A_14 : vector<16xi32>
      %get3A_16 = arith.index_cast %add3A_11 : i32 to index
      %get3A_17 = tpu.vector_load %arg15[%get3A_16] {strides = array<i32>} : memref<5008xi32, #tpu.memory_space<vmem>>, vector<16xi32>,
      %jit3A_18 = arith.constant 0 : i32
      %jit3A_19 = arith.constant 9999 : i32
      %max3A_20 = vector.broadcast %jit3A_18 : i32 to vector<16xi32>
      %max3A_21 = arith.maxsi %max3A_20, %get3A_17 : vector<16xi32>
      %min3A_22 = vector.broadcast %jit3A_19 : i32 to vector<16xi32>
      %min3A_23 = arith.minsi %min3A_22, %max3A_21 : vector<16xi32>
      %gather3A = tpu.vector_load_idx %arg11[%min3A_23] : memref<10000xf32, #tpu.memory_space<vmem>>[vector<16xi32>], vector<16xf32>,
      %gather3A_24 = tpu.vector_load_idx %arg11[%min3A_15] : memref<10000xf32, #tpu.memory_space<vmem>>[vector<16xi32>], vector<16xf32>,
      %sub3A = arith.subf %gather3A, %gather3A_24 : vector<16xf32>
      %get3A_25 = arith.index_cast %add3A_11 : i32 to index
      %get3A_26 = tpu.vector_load %arg16[%get3A_25] {strides = array<i32>} : memref<5008xf32, #tpu.memory_space<vmem>>, vector<16xf32>,
      %add3A_27 = arith.addf %sub3A, %get3A_26 : vector<16xf32>
      %gather3A_28 = tpu.vector_load_idx %arg12[%min3A_23] : memref<10000xf32, #tpu.memory_space<vmem>>[vector<16xi32>], vector<16xf32>,
      %gather3A_29 = tpu.vector_load_idx %arg12[%min3A_15] : memref<10000xf32, #tpu.memory_space<vmem>>[vector<16xi32>], vector<16xf32>,
      %sub3A_30 = arith.subf %gather3A_28, %gather3A_29 : vector<16xf32>
      %get3A_31 = arith.index_cast %add3A_11 : i32 to index
      %get3A_32 = tpu.vector_load %arg17[%get3A_31] {strides = array<i32>} : memref<5008xf32, #tpu.memory_space<vmem>>, vector<16xf32>,
      %add3A_33 = arith.addf %sub3A_30, %get3A_32 : vector<16xf32>
      %gather3A_34 = tpu.vector_load_idx %arg13[%min3A_23] : memref<10000xf32, #tpu.memory_space<vmem>>[vector<16xi32>], vector<16xf32>,
      %gather3A_35 = tpu.vector_load_idx %arg13[%min3A_15] : memref<10000xf32, #tpu.memory_space<vmem>>[vector<16xi32>], vector<16xf32>,
      %sub3A_36 = arith.subf %gather3A_34, %gather3A_35 : vector<16xf32>
      %get3A_37 = arith.index_cast %add3A_11 : i32 to index
      %get3A_38 = tpu.vector_load %arg18[%get3A_37] {strides = array<i32>} : memref<5008xf32, #tpu.memory_space<vmem>>, vector<16xf32>,
      %add3A_39 = arith.addf %sub3A_36, %get3A_38 : vector<16xf32>
      %mul3A_40 = arith.mulf %add3A_27, %add3A_27 : vector<16xf32>
      %mul3A_41 = arith.mulf %add3A_33, %add3A_33 : vector<16xf32>
      %add3A_42 = arith.addf %mul3A_40, %mul3A_41 : vector<16xf32>
      %mul3A_43 = arith.mulf %add3A_39, %add3A_39 : vector<16xf32>
      %add3A_44 = arith.addf %add3A_42, %mul3A_43 : vector<16xf32>
      %swap3A = arith.index_cast %add3A_11 : i32 to index
      %swap3A_45 = tpu.vector_load %arg19[%swap3A] {strides = array<i32>} : memref<5008xf32, #tpu.memory_space<vmem>>, vector<16xf32>,
      tpu.vector_store %arg19[%swap3A], %add3A_44 {strides = array<i32>} : memref<5008xf32, #tpu.memory_space<vmem>>, vector<16xf32>,
    }
    %scan3A_6 = arith.constant 313 : i32
    "tpu.region"() ({
      %run_scoped3A = tpu.sem_alloc : memref<!tpu.dma_semaphore, #tpu.memory_space<semaphore_mem>>
      %dma_start3A = arith.constant 0 : i32
      %dma_start3A_7 = tpu.memref_slice %arg19[%dma_start3A] : memref<5008xf32, #tpu.memory_space<vmem>> -> memref<5000xf32, #tpu.memory_space<vmem>>
      %dma_start3A_8 = tpu.memref_slice %arg10[%mul3A_2] : memref<160000xf32, #tpu.memory_space<hbm>> -> memref<5000xf32, #tpu.memory_space<hbm>>
      %dma_start3A_9 = tpu.memref_slice %arg10[%mul3A_2] : memref<160000xf32, #tpu.memory_space<hbm>> -> memref<5000xf32, #tpu.memory_space<hbm>>
      %dma_start3A_10 = arith.constant 0 : i32
      %dma_start3A_11 = tpu.memref_slice %arg19[%dma_start3A_10] : memref<5008xf32, #tpu.memory_space<vmem>> -> memref<5000xf32, #tpu.memory_space<vmem>>
      tpu.enqueue_dma source(%dma_start3A_11 : memref<5000xf32, #tpu.memory_space<vmem>>) target(%dma_start3A_9 : memref<5000xf32, #tpu.memory_space<hbm>>) target_semaphore(%run_scoped3A : memref<!tpu.dma_semaphore, #tpu.memory_space<semaphore_mem>>)
      %dma_wait3A = arith.constant 0 : i32
      %dma_wait3A_12 = tpu.memref_slice %arg19[%dma_wait3A] : memref<5008xf32, #tpu.memory_space<vmem>> -> memref<5000xf32, #tpu.memory_space<vmem>>
      %dma_wait3A_13 = tpu.memref_slice %arg10[%mul3A_2] : memref<160000xf32, #tpu.memory_space<hbm>> -> memref<5000xf32, #tpu.memory_space<hbm>>
      %dma_wait3A_14 = tpu.memref_slice %arg10[%mul3A_2] : memref<160000xf32, #tpu.memory_space<hbm>> -> memref<5000xf32, #tpu.memory_space<hbm>>
      %dma_wait3A_15 = arith.constant 0 : i32
      %dma_wait3A_16 = tpu.memref_slice %arg19[%dma_wait3A_15] : memref<5008xf32, #tpu.memory_space<vmem>> -> memref<5000xf32, #tpu.memory_space<vmem>>
      tpu.wait_dma2 semaphore(%run_scoped3A : memref<!tpu.dma_semaphore, #tpu.memory_space<semaphore_mem>>) src(%dma_wait3A_16 : memref<5000xf32, #tpu.memory_space<vmem>>) dst(%dma_wait3A_14 : memref<5000xf32, #tpu.memory_space<hbm>>)
      tpu.yield
    }) : () -> ()
    return
  }
}

module attributes {stable_mosaic.version = 14 : i64} {
  func.func @body(%arg0: i32, %arg1: memref<6400x1xf32, #tpu.memory_space<vmem>>, %arg2: memref<1x304xf32, #tpu.memory_space<vmem>>, %arg3: memref<6400x304xf32, #tpu.memory_space<vmem>>, %arg4: memref<6400x1xf32, #tpu.memory_space<vmem>>) attributes {dimension_semantics = [#tpu.dimension_semantics<parallel>], iteration_bounds = array<i64: 25>, scalar_prefetch = 0 : i64, scratch_operands = 0 : i64, tpu.core_type = #tpu.core_type<tc>, window_params = [{transform_indices = @transform_0, window_bounds = array<i64: 6400, 1>}, {pipeline_mode = #tpu.pipeline_mode<synchronous>, transform_indices = @transform_1, window_bounds = array<i64: 1, 304>}, {transform_indices = @transform_2, window_bounds = array<i64: 6400, 304>}, {transform_indices = @transform_3, window_bounds = array<i64: 6400, 1>}]} {
    %get3A = arith.constant 0 : index
    %get3A_0 = arith.constant 0 : index
    %get3A_1 = vector.load %arg1[%get3A, %get3A_0] : memref<6400x1xf32, #tpu.memory_space<vmem>>, vector<6400x1xf32>
    %sqrt3A = math.sqrt %get3A_1 : vector<6400x1xf32>
    %swap3A = arith.constant 0 : index
    %swap3A_2 = arith.constant 0 : index
    %swap3A_3 = vector.load %arg4[%swap3A, %swap3A_2] : memref<6400x1xf32, #tpu.memory_space<vmem>>, vector<6400x1xf32>
    tpu.vector_store %arg4[%swap3A, %swap3A_2], %sqrt3A {strides = array<i32>} : memref<6400x1xf32, #tpu.memory_space<vmem>>, vector<6400x1xf32>,
    %get3A_4 = arith.constant 0 : index
    %get3A_5 = arith.constant 0 : index
    %get3A_6 = vector.load %arg2[%get3A_4, %get3A_5] : memref<1x304xf32, #tpu.memory_space<vmem>>, vector<1x304xf32>
    %sub3A = vector.broadcast %sqrt3A : vector<6400x1xf32> to vector<6400x304xf32>
    %sub3A_7 = vector.broadcast %get3A_6 : vector<1x304xf32> to vector<6400x304xf32>
    %sub3A_8 = arith.subf %sub3A, %sub3A_7 : vector<6400x304xf32>
    %mul3A = arith.mulf %sub3A_8, %sub3A_8 : vector<6400x304xf32>
    %mul3A_9 = arith.constant -1.000000e-01 : f32
    %mul3A_10 = vector.broadcast %mul3A_9 : f32 to vector<6400x304xf32>
    %mul3A_11 = arith.mulf %mul3A_10, %mul3A : vector<6400x304xf32>
    %exp3A = math.exp %mul3A_11 : vector<6400x304xf32>
    %swap3A_12 = arith.constant 0 : index
    %swap3A_13 = arith.constant 0 : index
    %swap3A_14 = vector.load %arg3[%swap3A_12, %swap3A_13] : memref<6400x304xf32, #tpu.memory_space<vmem>>, vector<6400x304xf32>
    tpu.vector_store %arg3[%swap3A_12, %swap3A_13], %exp3A {strides = array<i32>} : memref<6400x304xf32, #tpu.memory_space<vmem>>, vector<6400x304xf32>,
    return
  }
  func.func @transform_0(%arg0: i32) -> (i32, i32) {
    %c0_i32 = arith.constant 0 : i32
    %c0_i32_0 = arith.constant 0 : i32
    return %arg0, %c0_i32 : i32, i32
  }
  func.func @transform_1(%arg0: i32) -> (i32, i32) {
    %c0_i32 = arith.constant 0 : i32
    %c0_i32_0 = arith.constant 0 : i32
    %c0_i32_1 = arith.constant 0 : i32
    return %c0_i32, %c0_i32_0 : i32, i32
  }
  func.func @transform_2(%arg0: i32) -> (i32, i32) {
    %c0_i32 = arith.constant 0 : i32
    %c0_i32_0 = arith.constant 0 : i32
    return %arg0, %c0_i32 : i32, i32
  }
  func.func @transform_3(%arg0: i32) -> (i32, i32) {
    %c0_i32 = arith.constant 0 : i32
    %c0_i32_0 = arith.constant 0 : i32
    return %arg0, %c0_i32 : i32, i32
  }
}

</mosaic_0001>

<sc_bundles>
// kernel: kernel.4.cloned.1.call-start
scs
__scs_entry_jumppad:
0x0: {  	(pc) =	sbr.rel $0x88, $3  }
0x1: {  	(tag) =	ssettag $0x0;
	lr =	simm.s32 $0x1  }
0x2: {  	[smem:$0x3F9E] =	sst lr;
	_ =	strace $0xD0000000  }
0x3: {  	_ = 	snop  }
0x4: {  	_ = 	snop  }
0x5: {  	_ = 	snop  }
0x6: {  	_ = 	snop  }
0x7: {  	_ = 	snop  }
__scs_overlays_trampoline_lowered:
0x8: {  	[smem:$0x3FAD] =	sst s0  }
0x9: {  	[smem:$0x3FAE] =	sst s1  }
0xa: {  	[smem:$0x3FAF] =	sst s2  }
0xb: {  	[smem:$0x3FB0] =	sst s3  }
0xc: {  	[smem:$0x3FB1] =	sst s4  }
0xd: {  	[smem:$0x3FB2] =	sst s5  }
0xe: {  	[smem:$0x3FB3] =	sst s6  }
0xf: {  	[smem:$0x3FB4] =	sst s7  }
0x10: {  	[smem:$0x3FB5] =	sst s8  }
0x11: {  	[smem:$0x3FB6] =	sst s9;
	s0 =	simm.s32 @!p0 $0x0  }
0x12: {  	s1 =	sld [smem:$0x3F9C];
	s0 =	simm.s32 @p0 $0x1  }
0x13: {  	[smem:$0x3FB7] =	sst s0;
	s0 =	simm.s32 @!p1 $0x0  }
0x14: {  	s2 =	sld [smem:$0x3F9B];
	s0 =	simm.s32 @p1 $0x1  }
0x15: {  	[smem:$0x3FB8] =	sst s0;
	s0 =	simm.s32 @!p2 $0x0  }
0x16: {  	s3 =	sld [smem:$0x3FDB];
	s0 =	simm.s32 @p2 $0x1  }
0x17: {  	s4 =	simm.s32 $0x1BF5;
	[smem:$0x3FBA] =	sst s0  }
0x18: {  	s0 =	sld [smem:$0x3F9D];
	_ =	swait.ge [sflag:s4], $0x0  }
0x19: {  	s7 =	sld [smem:$0x3F9E]  }
0x1a: {  	s8 =	sadd.s32 $0xFFFFE003, lr  }
0x1b: {  	s9 =	sadd.s32 $0xFFFFFEF7, lr;
	s5 =	simm.s32 $0xFFFFFFFF;
	p2 =	slt.u32 s8, $0xFFFFF086  }
0x1c: {  	p1 =	slt.u32 s9, $0xF7A;
	s5 =	simm.s32 @!p2 $0x0  }
0x1d: {  	s5 =	simm.s32 @p1 $0x1;
	p0 =	seq.s32 s7, s2  }
0x1e: {  	s7 =	smul.u32 @!p0 $0xF7A, s2;
	p2 =	seq.s32 @!p0 s5, $0x0  }
0x1f: {  	s9 =	smul.u32 $0xF7A, s1;
	s8 =	simm.s32 @!p0 $0x1BF5;
	p2 =	por !p2, p0  }
0x20: {  	[sflag:s8] =	ssyncset.s32 @!p0 $0xFFFFF086;
	s6 =	sadd.s32 @!p0 s3, s7;
	s7 =	simm.s32 @!p0 $0x108  }
0x21: {  	s3 =	sadd.s32 s3, s9;
	s6 =	sadd.s32 @!p0 $0x88, s6;
	s7 =	simm.s32 @p2 $0x1082  }
0x22: {  	[simem:s7], [sflag:s8] =	dma.local @!p0 [hbm:s6], $0xF7A  }
0x23: {  	s9 =	sor.u32 $0xD0000000, s2;
	s6 =	simm.s32 $0x108;
	_ =	swait.ge @!p0 [sflag:s8], $0x0  }
0x24: {  	s3 =	sadd.s32 $0x88, s3;
	s6 =	simm.s32 @!p1 $0x1082;
	[sflag:s4] =	ssyncset.s32 $0xFFFFF086  }
0x25: {  	[simem:s6], [sflag:s4] =	dma.local [hbm:s3], $0xF7A  }
0x26: {  	[smem:$0x3F9E] =	sst s1;
	(tag) =	ssettag s2;
	_ =	strace s9  }
0x27: {  	s1 =	sld [smem:$0x3FAE]  }
0x28: {  	s2 =	sld [smem:$0x3FAF]  }
0x29: {  	s4 =	sld [smem:$0x3FB1]  }
0x2a: {  	p0 =	seq.s32 s5, $0x0;
	s5 =	sld [smem:$0x3FB2]  }
0x2b: {  	s6 =	sld [smem:$0x3FB3]  }
0x2c: {  	s7 =	sld [smem:$0x3FB4]  }
0x2d: {  	s3 =	simm.s32 $0x108;
	s8 =	sld [smem:$0x3FB5]  }
0x2e: {  	s3 =	simm.s32 @!p0 $0x1082;
	s9 =	sld [smem:$0x3FB6]  }
0x2f: {  	lr =	sadd.s32 s0, s3;
	s0 =	sld [smem:$0x3FAD]  }
0x30: {  	s3 =	sld [smem:$0x3FB0]  }
0x31: {  	[smem:$0x3FB9] =	sst s10  }
0x32: {  	s10 =	sld [smem:$0x3FB7];
	_ =	sdelay $0x3  }
0x33: {  	p0 =	seq.s32 s10, $0x1;
	s10 =	sld [smem:$0x3FB9];
	_ =	sdelay $0x3  }
0x34: {  	[smem:$0x3FB9] =	sst s10  }
0x35: {  	s10 =	sld [smem:$0x3FB8];
	_ =	sdelay $0x3  }
0x36: {  	p1 =	seq.s32 s10, $0x1;
	s10 =	sld [smem:$0x3FB9];
	_ =	sdelay $0x3  }
0x37: {  	[smem:$0x3FB9] =	sst s10  }
0x38: {  	s10 =	sld [smem:$0x3FBA]  }
0x39: {  	_ = 	snop;
	(pc) =	sbr.ind lr, $3  }
0x3a: {  	_ = 	snop  }
0x3b: {  	_ = 	snop  }
0x3c: {  	p2 =	seq.s32 s10, $0x1;
	s10 =	sld [smem:$0x3FB9]  }
0x3d: {  	_ =	shalt  }
0x3e: {  	_ =	shalt  }
0x3f: {  	_ =	shalt  }
0x40: {  	_ =	shalt  }
0x41: {  	_ =	shalt  }
0x42: {  	_ =	shalt  }
0x43: {  	_ =	shalt  }
0x44: {  	_ =	shalt  }
0x45: {  	_ =	shalt  }
0x46: {  	_ =	shalt  }
0x47: {  	_ =	shalt  }
0x48: {  	_ =	shalt  }
0x49: {  	_ =	shalt  }
0x4a: {  	_ =	shalt  }
0x4b: {  	_ =	shalt  }
0x4c: {  	_ =	shalt  }
0x4d: {  	_ =	shalt  }
0x4e: {  	_ =	shalt  }
0x4f: {  	_ =	shalt  }
0x50: {  	_ =	shalt  }
0x51: {  	_ =	shalt  }
0x52: {  	_ =	shalt  }
0x53: {  	_ =	shalt  }
0x54: {  	_ =	shalt  }
0x55: {  	_ =	shalt  }
0x56: {  	_ =	shalt  }
0x57: {  	_ =	shalt  }
0x58: {  	_ =	shalt  }
0x59: {  	_ =	shalt  }
0x5a: {  	_ =	shalt  }
0x5b: {  	_ =	shalt  }
0x5c: {  	_ =	shalt  }
0x5d: {  	_ =	shalt  }
0x5e: {  	_ =	shalt  }
0x5f: {  	_ =	shalt  }
0x60: {  	_ =	shalt  }
0x61: {  	_ =	shalt  }
0x62: {  	_ =	shalt  }
0x63: {  	_ =	shalt  }
0x64: {  	_ =	shalt  }
0x65: {  	_ =	shalt  }
0x66: {  	_ =	shalt  }
0x67: {  	_ =	shalt  }
0x68: {  	_ =	shalt  }
0x69: {  	_ =	shalt  }
0x6a: {  	_ =	shalt  }
0x6b: {  	_ =	shalt  }
0x6c: {  	_ =	shalt  }
0x6d: {  	_ =	shalt  }
0x6e: {  	_ =	shalt  }
0x6f: {  	_ =	shalt  }
0x70: {  	_ =	shalt  }
0x71: {  	_ =	shalt  }
0x72: {  	_ =	shalt  }
0x73: {  	_ =	shalt  }
0x74: {  	_ =	shalt  }
0x75: {  	_ =	shalt  }
0x76: {  	_ =	shalt  }
0x77: {  	_ =	shalt  }
0x78: {  	_ =	shalt  }
0x79: {  	_ =	shalt  }
0x7a: {  	_ =	shalt  }
0x7b: {  	_ =	shalt  }
0x7c: {  	_ =	shalt  }
0x7d: {  	_ =	shalt  }
0x7e: {  	_ =	shalt  }
0x7f: {  	_ =	shalt  }
0x80: {  	_ =	shalt  }
0x81: {  	_ =	shalt  }
0x82: {  	_ =	shalt  }
0x83: {  	_ =	shalt  }
0x84: {  	_ =	shalt  }
0x85: {  	_ =	shalt  }
0x86: {  	_ =	shalt  }
0x87: {  	_ =	shalt  }
.Lfunc_end0:
.L_simem_size_0:
called_computation.1_lowered:
.L_overlay_start_0:
0x88: {  	s2 =	sld [smem:$0x3FD9]  }
0x89: {  	s3 =	sld [smem:$0x3FFE];
	_ =	sdelay $0x1  }
0x8a: {  	s1 =	srdreg.scid  }
0x8b: {  	s0 =	sand.u32 $0x1, s1  }
0x8c: {  	s14 =	sshll.u32 s0, $0xA;
	s2 =	sadd.s32 s3, s2  }
0x8d: {  	s2 =	sadd.s32 s2, s14  }
0x8e: {  	[smem:$0x3FC5] =	sst s2  }
0x8f: {  	_ = 	snop  }
0x90: {  	s2 =	sld [smem:$0x3FD0];
	_ =	sdelay $0x2  }
0x91: {  	s15 =	simm.s32 $0xA;
	s4 =	simm.s32 $0x10  }
0x92: {  	[smem:s4], [sflag:s15] =	dma.local [hbm:s2], $0x1  }
0x93: {  	_ =	swait.eq [sflag:s15], $0x1  }
0x94: {  	[sflag:s15] =	ssyncset.done $0x0  }
0x95: {  	s16 =	sld [smem:$0x10];
	[sflag:s15] =	ssyncadd.s32 $0xFFFFFFFF  }
0x96: {  	s17 =	sld [smem:$0x11];
	(tm) =	ssettm $0x1  }
0x97: {  	s18 =	sld [smem:$0x3FFB];
	_ =	sdelay $0x3  }
0x98: {  	_ =	strace s18  }
0x99: {  	s4 =	sld [smem:$0x3FFC];
	_ =	sdelay $0x3  }
0x9a: {  	_ =	strace s4  }
0x9b: {  	s4 =	sld [smem:$0x3FFD];
	_ =	sdelay $0x3  }
0x9c: {  	_ =	strace s4  }
0x9d: {  	_ =	strace $0x8FFFFFFF  }
0x9e: {  	s19 =	sld [smem:$0x3FDB];
	_ =	sdelay $0x1  }
0x9f: {  	s5 =	simm.s32 $_scs_section_size  }
0xa0: {  	s6 =	simm.s32 $_size__tile_overlayer_lowered;
	s7 =	simm.s32 $_tile_overlayer_lowered  }
0xa1: {  	s22 =	simm.s32 $0x1BFF;
	s21 =	sshll.u32 s7, $0x1;
	s4 =	sadd.s32 s5, s19  }
0xa2: {  	s8 =	simm.s32 $0x0;
	s20 =	sshll.u32 s6, $0x1;
	s6 =	sadd.s32 s21, s4  }
0xa3: {  	[timem:s8], [sflag:s22] =	dma.local [hbm:s6], s20  }
0xa4: {  	_ =	swait.ge [sflag:s22], s20  }
0xa5: {  	s5 =	ssub.s32 $0x0, s20;
	[sflag:s22] =	ssyncset.done $0x0  }
0xa6: {  	[sflag:s22] =	ssyncadd.s32 s5;
	_ =	sdelay $0x1  }
0xa7: {  	s23 =	simm.s32 $0x1B8B  }
0xa8: {  	_ =	swait.ge [sflag:s23], $0x1  }
0xa9: {  	[sflag:s23] =	ssyncset.done $0x0  }
0xaa: {  	s25 =	simm.s32 $0x1B8E;
	s24 =	sld [smem:$0x3FFE];
	[sflag:s23] =	ssyncadd.s32 $0xFFFFFFFF  }
0xab: {  	s26 =	simm.s32 $execute0_lowered;
	[smem:$0x3FD2] =	sst s25  }
0xac: {  	s6 =	sshll.u32 s26, $0x1;
	_ =	strace $0x80000046;
	[dreg:$0x1] =	wrdreg $0xFFFFFFFF  }
0xad: {  	s28 =	simm.s32 $_size_execute0_lowered;
	s4 =	sadd.s32 s4, s6;
	[dreg:$0x0] =	wrdreg $0x0  }
0xae: {  	s6 =	sshll.u32 s28, $0x1;
	[dreg:$0x2] =	wrdreg s4  }
0xaf: {  	[dreg:$0x3] =	wrdreg s6  }
0xb0: {  	[dreg:$0x4] =	wrdreg $0xC0  }
0xb1: {  	_ =	task [dreg:s8], $0x5FFFF  }
0xb2: {  	[dreg:$0x1] =	wrdreg $0xFFFFFFFF  }
0xb3: {  	[dreg:$0x0] =	wrdreg $0x60  }
0xb4: {  	[dreg:$0x2] =	wrdreg s24  }
0xb5: {  	[dreg:$0x3] =	wrdreg s17  }
0xb6: {  	[dreg:$0x4] =	wrdreg s16  }
0xb7: {  	[dreg:$0x5] =	wrdreg $0x9  }
0xb8: {  	_ =	task.clear_ibuf [dreg:s8], $0x6FFFF;
	_ =	strace $0x90000046  }
0xb9: {  	s29 =	simm.s32 $0x9;
	_ =	strace $0x80000048  }
0xba: {  	_ =	swait.ge [sflag:s29], $0x1  }
0xbb: {  	[sflag:s29] =	ssyncadd.s32 $0xFFFFFFFF  }
0xbc: {  	_ =	strace $0x90000048  }
0xbd: {  	_ =	sfence  }
0xbe: {  	s30 =	sld [smem:$0x0];
	_ =	sdelay $0x2  }
0xbf: {  	s31 =	sshll.u32 s1, $0xD;
	s1 =	sshrl.u32 s1, $0x2  }
0xc0: {  	s3 =	sand.u32 $0x4000, s31;
	s1 =	sadd.s32 s1, s30  }
0xc1: {  	s0 =	sor.u32 s3, s0;
	s1 =	sshll.u32 s1, $0x11  }
0xc2: {  	s0 =	sor.u32 s1, s0  }
0xc3: {  	s0 =	sadd.s32 $0x8F2B, s0  }
0xc4: {  	[sflag:s0] =	ssyncadd.remote.s32 $0x1  }
0xc5: {  	_ =	sfence.sel $0xFFFF  }
0xc6: {  	[dreg:$0x0] =	wrdreg $0xFFFFFFFF;
	(pc) =	sbr.abs _section_cstart, $3  }
0xc7: {  	[dreg:$0x1] =	wrdreg $0xFFFFFFFF  }
0xc8: {  	_ =	task.clear_ibuf [dreg:s8], $0x2FFFF;
	_ =	strace $0x9FFFFFFF  }
0xc9: {  	(tm) =	ssettm $0x7FFFFFFF  }
tec
execute0_lowered:
.L_overlay_start_1:
0x0: {  	(tag) =	ssettag $0x1  }
0x1: {  	s1 =	rddreg [dreg:$0x0]  }
0x2: {  	s3 =	rddreg [dreg:$0x1];
	s2 =	srdreg.scid  }
0x3: {  	s0 =	stileid.u32;
	s7 =	rddreg [dreg:$0x2]  }
0x4: {  	s4 =	simm.s32 $0x0;
	s13 =	simm.s32 $0x1;
	s14 =	simm.s32 $0x2780  }
0x5: {  	s15 =	simm.s32 $0x4F00;
	s16 =	simm.s32 $0x7680;
	s17 =	simm.s32 $0x8A80  }
0x6: {  	s18 =	simm.s32 $0x9E80;
	s19 =	simm.s32 $0xB280;
	s20 =	simm.s32 $0xC680  }
0x7: {  	s21 =	simm.s32 $0xDA80;
	s5 =	sand.u32 $0x1, s2;
	s6 =	sshll.u32 s0, $0x1  }
0x8: {  	s22 =	simm.s32 $0x0;
	s2 =	rddreg [dreg:$0x3];
	s6 =	sor.u32 s5, s6  }
0x9: {  	[smem:$0x7FF] =	sst s4;
	s31 =	ssub.s32 $0x2, s5;
	s8 =	smul.u32 $0x271, s6  }
0xa: {  	_ =	strace $0x80000047;
	s5 =	sadd.s32 $0x600, s1;
	s9 =	sshrl.u32 s31, $0x1  }
0xb: {  	s12 =	ssub.s32 s31, s9;
	s11 =	sadd.s32 s8, s1;
	s7 =	sadd.s32 s7, s8  }
0xc: {  	s12 =	smax.u32 s12, $0x1;
	s6 =	sadd.s32 $0xC00, s11;
	s8 =	sadd.s32 $0xFC00, s11  }
0xd: {  	s9 =	sadd.s32 $0xAC00, s11;
	s10 =	sadd.s32 $0x5C00, s11;
	s11 =	sadd.s32 $0x14C00, s11  }
.LBB2_1:
0xe: {  	[tilespmem:s4], [sflag:$0x1] =	stream.linear.gather [hbm4b:s5+s4], $0x2780, $0x38;
	[tilespmem:$0xEE80] =	vst v63  }
0xf: {  	_ =	swait.ge [sflag:s13], $0x2780  }
0x10: {  	[sflag:s13] =	ssyncset.done $0x0  }
0x11: {  	[sflag:s13] =	ssyncadd.s32 $0xFFFFD880  }
0x12: {  	[tilespmem:s14], [sflag:$0x1] =	stream.linear.gather [hbm4b:s1+s4], $0x2780, $0x38;
	[tilespmem:$0xEE80] =	vst v63  }
0x13: {  	_ =	swait.ge [sflag:s13], $0x2780  }
0x14: {  	[sflag:s13] =	ssyncset.done $0x0  }
0x15: {  	[sflag:s13] =	ssyncadd.s32 $0xFFFFD880  }
0x16: {  	[tilespmem:s15], [sflag:$0x1] =	stream.linear.gather [hbm4b:s3+s4], $0x2780, $0x38;
	[tilespmem:$0xEE80] =	vst v63  }
0x17: {  	_ =	swait.ge [sflag:s13], $0x2780  }
0x18: {  	[sflag:s13] =	ssyncset.done $0x0  }
0x19: {  	[sflag:s13] =	ssyncadd.s32 $0xFFFFD880  }
0x1a: {  	[tilespmem:s16], [sflag:$0x1] =	stream.linear.gather [hbm4b:s6+s4], $0x1388, $0x38;
	[tilespmem:$0xEE80] =	vst v63  }
0x1b: {  	_ =	swait.ge [sflag:s13], $0x1388  }
0x1c: {  	[sflag:s13] =	ssyncset.done $0x0  }
0x1d: {  	[sflag:s13] =	ssyncadd.s32 $0xFFFFEC78  }
0x1e: {  	[tilespmem:s17], [sflag:$0x1] =	stream.linear.gather [hbm4b:s7+s4], $0x1388, $0x38;
	[tilespmem:$0xEE80] =	vst v63  }
0x1f: {  	_ =	swait.ge [sflag:s13], $0x1388  }
0x20: {  	[sflag:s13] =	ssyncset.done $0x0  }
0x21: {  	[sflag:s13] =	ssyncadd.s32 $0xFFFFEC78  }
0x22: {  	[tilespmem:s18], [sflag:$0x1] =	stream.linear.gather [hbm4b:s8+s4], $0x1388, $0x38;
	[tilespmem:$0xEE80] =	vst v63  }
0x23: {  	_ =	swait.ge [sflag:s13], $0x1388  }
0x24: {  	[sflag:s13] =	ssyncset.done $0x0  }
0x25: {  	[sflag:s13] =	ssyncadd.s32 $0xFFFFEC78  }
0x26: {  	[tilespmem:s19], [sflag:$0x1] =	stream.linear.gather [hbm4b:s9+s4], $0x1388, $0x38;
	[tilespmem:$0xEE80] =	vst v63  }
0x27: {  	_ =	swait.ge [sflag:s13], $0x1388  }
0x28: {  	[sflag:s13] =	ssyncset.done $0x0  }
0x29: {  	[sflag:s13] =	ssyncadd.s32 $0xFFFFEC78  }
0x2a: {  	[tilespmem:s20], [sflag:$0x1] =	stream.linear.gather [hbm4b:s10+s4], $0x1388, $0x38;
	[tilespmem:$0xEE80] =	vst v63  }
0x2b: {  	_ =	swait.ge [sflag:s13], $0x1388  }
0x2c: {  	[sflag:s13] =	ssyncset.done $0x0  }
0x2d: {  	s23 =	simm.s32 $0x0;
	[sflag:s13] =	ssyncadd.s32 $0xFFFFEC78  }
0x2e: {  	v0 =	vld [tilespmem:s23+$0x8A80]  }
0x2f: {  	v1 =	vld [tilespmem:s23+$0x7680];
	_ =	sdelay $0x3  }
0x30: {  	vm0 =	vgt.s32 v0, $0x0  }
0x31: {  	vm1 =	vgt.s32 v1, $0x0;
	v0 =	vnsel vm0, $0x0, v0  }
0x32: {  	v1 =	vnsel vm1, $0x0, v1;
	v0 =	vmin.u32 v0, $0x270F  }
0x33: {  	v1 =	vmin.u32 v1, $0x270F;
	_ =	sdelay $0x2  }
0x34: {  	v4 =	vld [tilespmem:s23+$0x9E80]  }
0x35: {  	v2 =	vld.idx.msk [tilespmem:v0+s15+$0x0], $0xffff  }
0x36: {  	v3 =	vld.idx.msk [tilespmem:v1+s4+$0x0], $0xffff  }
0x37: {  	v5 =	vld.idx.msk [tilespmem:v0+s4+$0x0], $0xffff  }
0x38: {  	v6 =	vld.idx.msk [tilespmem:v0+s14+$0x0], $0xffff  }
0x39: {  	v8 =	vld.idx.msk [tilespmem:v1+s15+$0x0], $0xffff  }
0x3a: {  	v7 =	vld.idx.msk [tilespmem:v1+s14+$0x0], $0xffff  }
0x3b: {  	s24 =	simm.s32 $0x10;
	v9 =	vld [tilespmem:s23+$0xB280]  }
0x3c: {  	v0 =	vld [tilespmem:s24+$0x7680]  }
0x3d: {  	v1 =	vld [tilespmem:s24+$0x8A80]  }
0x3e: {  	v5 =	vsub.f32 v5, v3;
	v3 =	vsub.f32 v2, v8;
	v2 =	vld [tilespmem:s23+$0xC680]  }
0x3f: {  	v6 =	vsub.f32 v6, v7;
	_ =	sdelay $0x1  }
0x40: {  	s25 =	simm.s32 $0x80;
	v4 =	vadd.f32 v4, v5;
	v5 =	vadd.f32 v9, v6  }
.LBB2_2:
0x41: {  	p0 =	sne.s32 s25, $0x4E00;
	vm0 =	vgt.s32 v0, $0x0;
	vm1 =	vgt.s32 v1, $0x0  }
0x42: {  	v2 =	vadd.f32 v2, v3;
	v3 =	vmul.f32 v4, v4;
	v4 =	vmul.f32 v5, v5  }
0x43: {  	v0 =	vnsel vm0, $0x0, v0;
	v1 =	vnsel vm1, $0x0, v1  }
0x44: {  	v1 =	vmin.u32 v1, $0x270F;
	v3 =	vadd.f32 v4, v3;
	v2 =	vmul.f32 v2, v2  }
0x45: {  	v0 =	vmin.u32 v0, $0x270F  }
0x46: {  	v2 =	vadd.f32 v2, v3;
	_ =	sdelay $0x1  }
0x47: {  	v4 =	vld [tilespmem:s24+$0x9E80];
	[tilespmem:s23+$0xDA80] =	vst v2;
	s23 =	smov.u32 s24  }
0x48: {  	v3 =	vld.idx.msk [tilespmem:v1+s15+$0x0], $0xffff  }
0x49: {  	v5 =	vld.idx.msk [tilespmem:v0+s4+$0x0], $0xffff  }
0x4a: {  	v6 =	vld.idx.msk [tilespmem:v1+s4+$0x0], $0xffff  }
0x4b: {  	v7 =	vld.idx.msk [tilespmem:v1+s14+$0x0], $0xffff  }
0x4c: {  	v8 =	vld.idx.msk [tilespmem:v0+s14+$0x0], $0xffff  }
0x4d: {  	v9 =	vld.idx.msk [tilespmem:v0+s15+$0x0], $0xffff  }
0x4e: {  	s24 =	sshra.s32 s25, $0x2;
	v10 =	vld [tilespmem:s23+$0xB280]  }
0x4f: {  	v0 =	vld [tilespmem:s24+$0x7680]  }
.Ltmp0:
0x50: {  	v1 =	vld [tilespmem:s24+$0x8A80];
	(pc) =	sbr.rel @p0 .LBB2_2-.Ltmp0, $4  }
0x51: {  	v2 =	vld [tilespmem:s23+$0xC680]  }
0x52: {  	v5 =	vsub.f32 v6, v5;
	v6 =	vsub.f32 v7, v8  }
0x53: {  	v3 =	vsub.f32 v3, v9  }
0x54: {  	s25 =	sadd.s32 $0x40, s25;
	v4 =	vadd.f32 v4, v5;
	v5 =	vadd.f32 v10, v6  }
0x55: {  	vm0 =	vgt.s32 v0, $0x0;
	vm1 =	vgt.s32 v1, $0x0  }
0x56: {  	v2 =	vadd.f32 v2, v3;
	v58 =	vmul.f32 v4, v4;
	v59 =	vmul.f32 v5, v5  }
0x57: {  	v0 =	vnsel vm0, $0x0, v0;
	v1 =	vnsel vm1, $0x0, v1  }
0x58: {  	v1 =	vmin.u32 v1, $0x270F;
	v3 =	vadd.f32 v59, v58;
	v2 =	vmul.f32 v2, v2  }
0x59: {  	v0 =	vmin.u32 v0, $0x270F  }
0x5a: {  	v2 =	vadd.f32 v2, v3;
	_ =	sdelay $0x1  }
0x5b: {  	v60 =	vld [tilespmem:s24+$0x9E80];
	[tilespmem:s23+$0xDA80] =	vst v2  }
0x5c: {  	v2 =	vld.idx.msk [tilespmem:v1+s15+$0x0], $0xffff  }
0x5d: {  	v61 =	vld.idx.msk [tilespmem:v0+s4+$0x0], $0xffff  }
0x5e: {  	v62 =	vld.idx.msk [tilespmem:v1+s4+$0x0], $0xffff  }
0x5f: {  	v1 =	vld.idx.msk [tilespmem:v1+s14+$0x0], $0xffff  }
0x60: {  	v6 =	vld.idx.msk [tilespmem:v0+s14+$0x0], $0xffff  }
0x61: {  	v0 =	vld.idx.msk [tilespmem:v0+s15+$0x0], $0xffff  }
0x62: {  	v7 =	vld [tilespmem:s24+$0xB280];
	_ =	sdelay $0x1  }
0x63: {  	v8 =	vld [tilespmem:s24+$0xC680]  }
0x64: {  	v4 =	vsub.f32 v62, v61;
	v1 =	vsub.f32 v1, v6  }
0x65: {  	v0 =	vsub.f32 v2, v0  }
0x66: {  	v63 =	vadd.f32 v60, v4;
	v1 =	vadd.f32 v7, v1;
	_ =	sdelay $0x1  }
0x67: {  	v0 =	vadd.f32 v8, v0;
	v2 =	vmul.f32 v63, v63;
	v1 =	vmul.f32 v1, v1;
	_ =	sdelay $0x1  }
0x68: {  	v0 =	vmul.f32 v0, v0;
	v1 =	vadd.f32 v1, v2;
	_ =	sdelay $0x1  }
0x69: {  	s22 =	sadd.s32 $0x1, s22;
	v0 =	vadd.f32 v0, v1  }
0x6a: {  	p0 =	sne.s32 s22, s12  }
.Ltmp1:
0x6b: {  	[tilespmem:s24+$0xDA80] =	vst v0;
	(pc) =	sbr.rel @p0 .LBB2_1-.Ltmp1, $4  }
0x6c: {  	[hbm4b:s11+s4] =	stream.linear.scatter [tilespmem:s21], [sflag:$0x1], $0x1388, $0x38;
	[tilespmem:$0xEE80] =	vst v63  }
0x6d: {  	_ =	swait.ge [sflag:s13], $0x1388  }
0x6e: {  	[sflag:s13] =	ssyncset.done $0x0  }
0x6f: {  	[sflag:s13] =	ssyncadd.s32 $0xFFFFEC78  }
0x70: {  	_ =	sfence.sel $0x180000  }
0x71: {  	[bflag:$0x0] =	sbarrier.arrive $0xFFFF  }
0x72: {  	p0 =	sne.s32 s0, $0x0;
	_ =	strace $0x90000047  }
0x73: {  	s0 =	sadd.s32 @!p0 $0x100000, s2;
	[bflag:$0x2] =	sbarrier.arrive $0xFFFF  }
0x74: {  	[sflag:s0] =	ssyncadd.tile.s32 @!p0 $0x1;
	_ =	shalt  }
.Lfunc_end2:
_tile_overlayer_lowered:
.L_overlay_start_2:
0x75: {  	(tag) =	ssettag $0x2  }
0x76: {  	s0 =	rddreg [dreg:$0x0];
	s2 =	stileid.u32  }
0x77: {  	s1 =	rddreg [dreg:$0x1];
	p0 =	sne.s32 s2, $0x0  }
0x78: {  	s3 =	rddreg [dreg:$0x2];
	[bflag:$0x3] =	sbarrier.arrive $0xFFFF;
	s2 =	simm.s32 @!p0 $0x1C01  }
0x79: {  	[timem:s3], [sflag:s2] =	dma.local @!p0 [hbm:s0], s1  }
0x7a: {  	s0 =	simm.s32 @!p0 $0x1  }
0x7b: {  	_ =	swait.ge @!p0 [sflag:s0], s1  }
0x7c: {  	s1 =	ssub.s32 @!p0 $0x0, s1;
	[sflag:s0] =	ssyncset.done @!p0 $0x0  }
0x7d: {  	[sflag:s0] =	ssyncadd.s32 @!p0 s1  }
0x7e: {  	[bflag:$0x3] =	sbarrier.arrive $0xFFFF  }
0x7f: {  	_ =	shalt  }

// kernel: sparse-core-data-format-call.cloned.1.call-start
scs
called_computation_lowered:
.L_overlay_start_0:
0x0: {  	s2 =	sld [smem:$0x3FD9]  }
0x1: {  	s3 =	sld [smem:$0x3FFE];
	_ =	sdelay $0x1  }
0x2: {  	s1 =	srdreg.scid  }
0x3: {  	s0 =	sand.u32 $0x1, s1  }
0x4: {  	s15 =	sshll.u32 s0, $0xA;
	s2 =	sadd.s32 s3, s2  }
0x5: {  	s2 =	sadd.s32 s2, s15  }
0x6: {  	[smem:$0x3FC5] =	sst s2  }
0x7: {  	_ = 	snop  }
0x8: {  	s2 =	sld [smem:$0x3FD0];
	_ =	sdelay $0x2  }
0x9: {  	s16 =	simm.s32 $0xA;
	s4 =	simm.s32 $0x10  }
0xa: {  	[smem:s4], [sflag:s16] =	dma.local [hbm:s2], $0x1  }
0xb: {  	_ =	swait.eq [sflag:s16], $0x1  }
0xc: {  	[sflag:s16] =	ssyncset.done $0x0  }
0xd: {  	[sflag:s16] =	ssyncadd.s32 $0xFFFFFFFF  }
0xe: {  	s17 =	sld [smem:$0x10];
	(tm) =	ssettm $0x1  }
0xf: {  	s18 =	sld [smem:$0x3FFB];
	_ =	sdelay $0x3  }
0x10: {  	_ =	strace s18  }
0x11: {  	s3 =	sld [smem:$0x3FFC];
	_ =	sdelay $0x3  }
0x12: {  	_ =	strace s3  }
0x13: {  	s3 =	sld [smem:$0x3FFD];
	_ =	sdelay $0x3  }
0x14: {  	_ =	strace s3  }
0x15: {  	_ =	strace $0x8FFFFFFF  }
0x16: {  	s19 =	sld [smem:$0x3FDB];
	_ =	sdelay $0x1  }
0x17: {  	s20 =	simm.s32 $_scs_section_size  }
0x18: {  	s5 =	simm.s32 $_size__tile_overlayer_lowered;
	s6 =	simm.s32 $_tile_overlayer_lowered  }
0x19: {  	s23 =	simm.s32 $0x1BFF;
	s22 =	sshll.u32 s6, $0x1;
	s3 =	sadd.s32 s20, s19  }
0x1a: {  	s7 =	simm.s32 $0x0;
	s21 =	sshll.u32 s5, $0x1;
	s5 =	sadd.s32 s22, s3  }
0x1b: {  	[timem:s7], [sflag:s23] =	dma.local [hbm:s5], s21  }
0x1c: {  	_ =	swait.ge [sflag:s23], s21  }
0x1d: {  	s4 =	ssub.s32 $0x0, s21;
	[sflag:s23] =	ssyncset.done $0x0  }
0x1e: {  	[sflag:s23] =	ssyncadd.s32 s4;
	_ =	sdelay $0x1  }
0x1f: {  	s24 =	simm.s32 $0x1B8B  }
0x20: {  	_ =	swait.ge [sflag:s24], $0x1  }
0x21: {  	[sflag:s24] =	ssyncset.done $0x0  }
0x22: {  	s26 =	simm.s32 $0x1B8E;
	s25 =	sld [smem:$0x3FFE];
	[sflag:s24] =	ssyncadd.s32 $0xFFFFFFFF  }
0x23: {  	s27 =	simm.s32 $execute0_lowered;
	[smem:$0x3FD2] =	sst s26  }
0x24: {  	s5 =	sshll.u32 s27, $0x1;
	_ =	strace $0x80000049;
	[dreg:$0x1] =	wrdreg $0xFFFFFFFF  }
0x25: {  	s28 =	simm.s32 $_size_execute0_lowered;
	s3 =	sadd.s32 s3, s5;
	[dreg:$0x0] =	wrdreg $0x0  }
0x26: {  	s5 =	sshll.u32 s28, $0x1;
	[dreg:$0x2] =	wrdreg s3  }
0x27: {  	[dreg:$0x3] =	wrdreg s5  }
0x28: {  	[dreg:$0x4] =	wrdreg $0xC0  }
0x29: {  	_ =	task [dreg:s7], $0x5FFFF  }
0x2a: {  	[dreg:$0x1] =	wrdreg $0xFFFFFFFF  }
0x2b: {  	[dreg:$0x0] =	wrdreg $0x60  }
0x2c: {  	[dreg:$0x2] =	wrdreg s25  }
0x2d: {  	[dreg:$0x3] =	wrdreg s17  }
0x2e: {  	[dreg:$0x4] =	wrdreg $0x9  }
0x2f: {  	_ =	task.clear_ibuf [dreg:s7], $0x5FFFF;
	_ =	strace $0x90000049  }
0x30: {  	s29 =	simm.s32 $0x9;
	_ =	strace $0x8000004B  }
0x31: {  	_ =	swait.ge [sflag:s29], $0x1  }
0x32: {  	[sflag:s29] =	ssyncadd.s32 $0xFFFFFFFF  }
0x33: {  	_ =	strace $0x9000004B  }
0x34: {  	_ =	sfence  }
0x35: {  	s30 =	sld [smem:$0x0];
	_ =	sdelay $0x2  }
0x36: {  	s31 =	sshll.u32 s1, $0xD;
	s1 =	sshrl.u32 s1, $0x2  }
0x37: {  	s3 =	sand.u32 $0x4000, s31;
	s1 =	sadd.s32 s1, s30  }
0x38: {  	s0 =	sor.u32 s3, s0;
	s1 =	sshll.u32 s1, $0x11  }
0x39: {  	s0 =	sor.u32 s1, s0  }
0x3a: {  	s0 =	sadd.s32 $0x8F2B, s0  }
0x3b: {  	[sflag:s0] =	ssyncadd.remote.s32 $0x1  }
0x3c: {  	_ =	sfence.sel $0xFFFF  }
0x3d: {  	[dreg:$0x0] =	wrdreg $0xFFFFFFFF;
	(pc) =	sbr.abs _section_cstart, $3  }
0x3e: {  	[dreg:$0x1] =	wrdreg $0xFFFFFFFF  }
0x3f: {  	_ =	task.clear_ibuf [dreg:s7], $0x2FFFF;
	_ =	strace $0x9FFFFFFF  }
0x40: {  	(tm) =	ssettm $0x7FFFFFFF  }
0x41: {  	_ =	shalt  }
tec
execute0_lowered:
.L_overlay_start_1:
0x0: {  	(tag) =	ssettag $0x1  }
0x1: {  	s0 =	srdreg.scid  }
0x2: {  	s1 =	sshll.u32 s0, $0x4  }
0x3: {  	s6 =	rddreg [dreg:$0x0];
	s0 =	stileid.u32;
	s1 =	sand.u32 $0x10, s1  }
0x4: {  	s3 =	rddreg [dreg:$0x1];
	s1 =	sor.u32 s0, s1  }
0x5: {  	s5 =	simm.s32 $0x1;
	s31 =	simm.s32 $0x2;
	s2 =	sshll.u32 s1, $0x7  }
0x6: {  	s15 =	simm.s32 $0x0;
	s8 =	simm.s32 $0x138800;
	s4 =	ssub.s32 $0x27100, s2  }
0x7: {  	s14 =	simm.s32 $0x0;
	s9 =	simm.s32 $0x0;
	s30 =	sand.u32 $0xF80, s4  }
0x8: {  	s10 =	simm.s32 $0x0;
	s11 =	simm.s32 $0x0;
	p0 =	sne.s32 s30, $0x0  }
.Ltmp0:
0x9: {  	s7 =	sshrl.u32 s4, $0xC;
	s5 =	simm.s32 @!p0 $0x0;
	(pc) =	sbr.rel .LBB1_1-.Ltmp0, $4  }
0xa: {  	s13 =	simm.s32 $0x0;
	s1 =	rddreg [dreg:$0x2];
	s5 =	sadd.s32 s5, s7  }
0xb: {  	_ =	strace $0x8000004A;
	s4 =	simm.s32 $0x1;
	s5 =	smul.u32 $0x3, s5  }
0xc: {  	s6 =	sadd.s32 $0x271000, s6;
	s12 =	smov.u32 s2;
	[sflag:s4] =	ssyncpa.u1 $0x0  }
0xd: {  	[sflag:s31] =	ssyncpa.u1 $0x0;
	p0 =	por $0x0, $0x0;
	s7 =	sadd.s32 $0x1, s5  }
.LBB1_4:
0xe: {  	s21 =	sshrl.u32 s9, $0x3;
	s22 =	sshll.u32 s10, $0x3  }
0xf: {  	s23 =	sshll.u32 s9, $0x7;
	s20 =	sshra.s32 s20, $0x2;
	s21 =	smul.u32 $0x138800, s21  }
0x10: {  	s28 =	sand.u32 $0x7F, s10;
	p1 =	sgt.s32 s9, $0xB0;
	s22 =	sand.u32 $0xFFFFFC00, s22  }
0x11: {  	s29 =	sshra.s32 s9, $0x1F;
	s27 =	sand.u32 $0x380, s23;
	s21 =	sadd.s32 s22, s21  }
0x12: {  	s24 =	sshra.s32 s10, $0x1F;
	s19 =	sadd.s32 s20, s19;
	s21 =	sor.u32 s27, s21  }
0x13: {  	v5 =	vld [tilespmem:s17+$0xFFFFFFD0];
	s22 =	smulhi.u32 $0xD1B71759, s21;
	s20 =	sor.u32 s28, s21;
	s21 =	smov.u32 s9  }
0x14: {  	[tilespmem:s18+$0x2040 ss:$0x81] =	vst.msk $0xffff, v4;
	v58 =	vld [tilespmem:s17+$0xFFFFFFE0];
	s23 =	sand.u32 s29, s9;
	s24 =	sand.u32 s24, s10;
	s21 =	simm.s32 @!p1 $0xB0  }
0x15: {  	[tilespmem:s18+$0x2850 ss:$0x81] =	vst.msk $0xffff, v3;
	p1 =	sgt.s32 s10, $0x27080;
	s30 =	smulhi.u32 $0xD1B71759, s20;
	s22 =	sshrl.u32 s22, $0x11  }
0x16: {  	v59 =	vld [tilespmem:s17+$0xFFFFFFF0];
	[tilespmem:s18+$0x3060 ss:$0x81] =	vst.msk $0xffff, v2;
	s21 =	ssub.s32 s21, s23;
	s23 =	smov.u32 s10;
	s25 =	smul.u32 $0xD795, s22  }
0x17: {  	v60 =	vld [tilespmem:s17+$0x0];
	[tilespmem:s18+$0x0 ss:$0x81] =	vst.msk $0xffff, v0;
	s23 =	simm.s32 @!p1 $0x27080;
	s31 =	sadd.s32 $0xFFFFFF50, s21;
	s18 =	sshrl.u32 s30, $0x11  }
0x18: {  	v61 =	vld [tilespmem:s17+$0x10];
	[tilespmem:s19+$0x3870 ss:$0x81] =	vst.msk $0xffff, v1;
	s23 =	ssub.s32 s23, s24;
	s28 =	smul.u32 $0x27100, s18;
	s25 =	sshrl.u32 s25, $0x18  }
0x19: {  	v62 =	vld [tilespmem:s17+$0x20];
	[tilespmem:s19+$0x810 ss:$0x81] =	vst.msk $0xffff, v5;
	p1 =	sgt.s32 s31, $0x7F;
	s26 =	sadd.s32 $0xFFFD8F80, s23;
	s27 =	smul.u32 $0x130, s25  }
0x1a: {  	v63 =	vld [tilespmem:s17+$0xFFFFFFC0];
	[tilespmem:s19+$0x1020 ss:$0x81] =	vst.msk $0xffff, v58;
	s18 =	ssub.s32 $0x130, s21;
	s21 =	ssub.s32 $0x27100, s23;
	p2 =	sgt.s32 s26, $0x7F  }
0x1b: {  	[tilespmem:s19+$0x1830 ss:$0x81] =	vst.msk $0xffff, v59;
	s18 =	simm.s32 @p1 $0x0;
	s21 =	simm.s32 @p2 $0x0;
	s22 =	ssub.s32 s22, s27  }
0x1c: {  	[tilespmem:s19+$0x2040 ss:$0x81] =	vst.msk $0xffff, v60;
	s17 =	ssub.s32 s20, s28;
	s18 =	smul.u32 s21, s18;
	s29 =	sand.u32 $0xFFFF, s22  }
0x1d: {  	[tilespmem:s19+$0x2850 ss:$0x81] =	vst.msk $0xffff, v61;
	s30 =	sshrl.u32 s17, $0x3;
	s17 =	sand.u32 $0x7, s17;
	s20 =	smul.u32 $0x4E20, s29  }
0x1e: {  	[tilespmem:s19+$0x3060 ss:$0x81] =	vst.msk $0xffff, v62;
	s21 =	sadd.s32 s3, s30;
	s17 =	sshll.u32 s17, $0x12  }
0x1f: {  	[tilespmem:s19+$0x0 ss:$0x81] =	vst.msk $0xffff, v63;
	s17 =	sor.u32 $0x400, s17;
	s18 =	sand.u32 $0x3FFFFFFF, s18;
	s31 =	sadd.s32 s20, s21  }
0x20: {  	[hbm4b:s31+s17] =	stream.strided.scatter [tilespmem:s16], [sflag:$0x2], s18, s8, s17, $0x20;
	[tilespmem:$0x10100] =	vst v63  }
.LBB1_5:
0x21: {  	p1 =	slt.u32 s13, $0x2  }
0x22: {  	s17 =	smov.u32 s15;
	p2 =	sgt.s32 @!p1 s15, $0xB0;
	s16 =	sshra.s32 @!p1 s15, $0x1F  }
0x23: {  	p3 =	sgt.s32 @!p1 s14, $0x27080;
	s18 =	sshra.s32 @!p1 s14, $0x1F;
	p2 =	por !p2, p1  }
0x24: {  	s15 =	sand.u32 @!p1 s16, s15;
	p3 =	por !p3, p1;
	s16 =	smov.u32 s14  }
0x25: {  	s14 =	sand.u32 @!p1 s18, s14;
	s17 =	simm.s32 @p2 $0xB0;
	s16 =	simm.s32 @p3 $0x27080  }
0x26: {  	s15 =	ssub.s32 @!p1 s17, s15;
	s14 =	ssub.s32 @!p1 s16, s14  }
0x27: {  	s18 =	smov.u32 s12;
	s16 =	sadd.s32 @!p1 $0xFFFFFF50, s15;
	s17 =	sadd.s32 @!p1 $0xFFFD8F80, s14  }
0x28: {  	s15 =	ssub.s32 @!p1 $0x130, s15;
	p2 =	sgt.s32 @!p1 s16, $0x7F;
	p3 =	sgt.s32 @!p1 s17, $0x7F  }
0x29: {  	s14 =	ssub.s32 @!p1 $0x27100, s14;
	p2 =	por !p2, p1;
	p3 =	por !p3, p1  }
0x2a: {  	s16 =	sadd.s32 $0x80, s11;
	s15 =	simm.s32 @!p2 $0x0;
	s14 =	simm.s32 @!p3 $0x0  }
0x2b: {  	p2 =	sgt.s32 s16, $0x12B;
	s14 =	smul.u32 @!p1 s14, s15;
	s15 =	sadd.s32 $0x1000, s12  }
0x2c: {  	s18 =	smov.u32 @p2 s15  }
0x2d: {  	s16 =	simm.s32 @p2 $0x0;
	p2 =	sgt.s32 s18, $0x270FF  }
0x2e: {  	s18 =	smov.u32 @p2 s2;
	p2 =	sne.s32 s13, s7  }
.Ltmp1:
0x2f: {  	p0 =	por !p0, !p0;
	s17 =	simm.s32 @!p1 $0x2;
	(pc) =	sbr.rel @!p2 .LBB1_6-.Ltmp1, $4  }
0x30: {  	s15 =	smov.u32 s9;
	s9 =	smov.u32 s11;
	s14 =	sand.u32 @!p1 $0x3FFFFFFF, s14  }
0x31: {  	s11 =	smov.u32 s16;
	_ =	swait.ge @!p1 [sflag:s17], s14;
	s19 =	ssub.s32 @!p1 $0x0, s14  }
0x32: {  	s14 =	smov.u32 s10;
	s13 =	sadd.s32 $0x1, s13;
	[sflag:s17] =	ssyncset.done @!p1 $0x0  }
0x33: {  	s10 =	smov.u32 s12;
	s12 =	smov.u32 s18;
	[sflag:s17] =	ssyncadd.s32 @!p1 s19  }
.LBB1_1:
0x34: {  	p1 =	sge.u32 s13, s5  }
0x35: {  	s16 =	sshrl.u32 @!p1 s12, $0x3  }
0x36: {  	s17 =	sshll.u32 @!p1 s11, $0x3;
	s16 =	smul.u32 @!p1 $0xC00, s16  }
0x37: {  	s18 =	sshll.u32 @!p1 s12, $0x7;
	s17 =	sand.u32 @!p1 $0xFFFFFC00, s17  }
0x38: {  	s16 =	sadd.s32 @!p1 s16, s17;
	s17 =	sand.u32 @!p1 $0x380, s18  }
0x39: {  	s16 =	sor.u32 @!p1 s17, s16  }
0x3a: {  	s17 =	sand.u32 @!p1 $0x7F, s11;
	s18 =	smulhi.u32 @!p1 $0xAAAAAAAB, s16  }
0x3b: {  	s16 =	sor.u32 @!p1 s17, s16  }
0x3c: {  	s17 =	smulhi.u32 @!p1 $0xAAAAAAAB, s16;
	s18 =	sshrl.u32 @!p1 s18, $0x8  }
0x3d: {  	s19 =	smulhi.u32 @!p1 $0x1A36E3, s18  }
0x3e: {  	s17 =	sshrl.u32 @!p1 s17, $0x8  }
0x3f: {  	s17 =	smul.u32 @!p1 $0x180, s17;
	s19 =	sshrl.u32 @!p1 s19, $0x6  }
0x40: {  	s19 =	smul.u32 @!p1 $0x27100, s19  }
0x41: {  	s31 =	sadd.s32 $0xFFFFFFFF, s13;
	s20 =	sxor.u32 @!p1 $0xFFFFFFFF, s13  }
0x42: {  	s16 =	ssub.s32 @!p1 s16, s17;
	s17 =	sshll.u32 @!p1 s20, $0xE;
	s18 =	ssub.s32 @!p1 s18, s19  }
0x43: {  	s19 =	sshrl.u32 @!p1 s16, $0x3;
	s16 =	sand.u32 @!p1 $0x7, s16;
	s18 =	smul.u32 @!p1 $0x30, s18  }
0x44: {  	s17 =	sand.u32 @!p1 $0x4000, s17;
	s19 =	sadd.s32 @!p1 s6, s19;
	s16 =	sshll.u32 @!p1 s16, $0x12  }
0x45: {  	s16 =	sor.u32 @!p1 $0x400, s16;
	s18 =	sadd.s32 @!p1 s18, s19;
	s19 =	simm.s32 @!p1 $0xC00  }
0x46: {  	[tilespmem:s17], [sflag:$0x1] =	stream.strided.gather @!p1 [hbm4b:s18+s16], $0x4000, s19, s16, $0x38;
	[tilespmem:$0x10100] =	vst v63  }
0x47: {  	p1 =	sge.u32 s31, s5  }
.Ltmp2:
0x48: {  	_ = 	snop;
	(pc) =	sbr.rel @p1 .LBB1_5-.Ltmp2, $1  }
0x49: {  	_ =	sdelay $0x3  }
0x4a: {  	s16 =	simm.s32 $0x1  }
0x4b: {  	_ =	swait.ge [sflag:s4], $0x4000;
	s16 =	simm.s32 @!p0 $0x0  }
0x4c: {  	[sflag:s4] =	ssyncset.done $0x0;
	s17 =	sshll.u32 s16, $0xE  }
0x4d: {  	[sflag:s4] =	ssyncadd.s32 $0xFFFFC000;
	s17 =	sor.u32 $0x40, s17  }
0x4e: {  	s16 =	smul.u32 $0x10200, s16;
	v0 =	vld [tilespmem:s17+$0x30]  }
0x4f: {  	v1 =	vld [tilespmem:s17+$0xFFFFFFD0]  }
0x50: {  	s16 =	sshrl.u32 s16, $0x2;
	v5 =	vld [tilespmem:s17+$0xFFFFFFE0]  }
0x51: {  	v6 =	vld [tilespmem:s17+$0xFFFFFFF0];
	s19 =	sor.u32 $0x8000, s16  }
0x52: {  	s31 =	sand.u32 $0x1, s13;
	v4 =	vld [tilespmem:s17+$0x0];
	s18 =	sadd.s32 $0x0, s19  }
0x53: {  	v3 =	vld [tilespmem:s17+$0x10];
	s16 =	smul.u32 $0x10200, s31;
	[tilespmem:s18+$0x3870 ss:$0x81] =	vst.msk $0xffff, v0  }
0x54: {  	v2 =	vld [tilespmem:s17+$0x20];
	[tilespmem:s18+$0x810 ss:$0x81] =	vst.msk $0xffff, v1  }
0x55: {  	s16 =	sshrl.u32 s16, $0x2;
	v0 =	vld [tilespmem:s17+$0xFFFFFFC0];
	[tilespmem:s18+$0x1020 ss:$0x81] =	vst.msk $0xffff, v5;
	s17 =	sadd.s32 $0x80, s17  }
0x56: {  	s20 =	simm.s32 $0x4;
	s21 =	simm.s32 $0x8;
	s16 =	sor.u32 $0x8000, s16;
	[tilespmem:s18+$0x1830 ss:$0x81] =	vst.msk $0xffff, v6;
	v1 =	vld [tilespmem:s17+$0x30]  }
.LBB1_3:
0x57: {  	p1 =	sne.s32 s21, $0x1FC;
	v5 =	vld [tilespmem:s17+$0xFFFFFFD0];
	[tilespmem:s18+$0x2040 ss:$0x81] =	vst.msk $0xffff, v4  }
0x58: {  	v6 =	vld [tilespmem:s17+$0xFFFFFFE0];
	[tilespmem:s18+$0x2850 ss:$0x81] =	vst.msk $0xffff, v3  }
0x59: {  	s22 =	sshra.s32 s20, $0x2;
	s20 =	smov.u32 s21;
	v7 =	vld [tilespmem:s17+$0xFFFFFFF0];
	[tilespmem:s18+$0x3060 ss:$0x81] =	vst.msk $0xffff, v2  }
.Ltmp3:
0x5a: {  	v4 =	vld [tilespmem:s17+$0x0];
	[tilespmem:s18+$0x0 ss:$0x81] =	vst.msk $0xffff, v0;
	s18 =	sadd.s32 s22, s19;
	(pc) =	sbr.rel @p1 .LBB1_3-.Ltmp3, $4  }
0x5b: {  	v3 =	vld [tilespmem:s17+$0x10];
	[tilespmem:s18+$0x3870 ss:$0x81] =	vst.msk $0xffff, v1  }
0x5c: {  	[tilespmem:s18+$0x810 ss:$0x81] =	vst.msk $0xffff, v5;
	v2 =	vld [tilespmem:s17+$0x20]  }
0x5d: {  	v0 =	vld [tilespmem:s17+$0xFFFFFFC0];
	[tilespmem:s18+$0x1020 ss:$0x81] =	vst.msk $0xffff, v6;
	s17 =	sadd.s32 $0x80, s17  }
0x5e: {  	s21 =	sadd.s32 $0x4, s21;
	v1 =	vld [tilespmem:s17+$0x30];
	[tilespmem:s18+$0x1830 ss:$0x81] =	vst.msk $0xffff, v7  }
.Ltmp4:
0x5f: {  	_ = 	snop;
	(pc) =	sbr.rel .LBB1_4-.Ltmp4, $1  }
0x60: {  	_ =	sdelay $0x3  }
.LBB1_6:
0x61: {  	_ =	sfence.sel $0x180000  }
0x62: {  	s2 =	simm.s32 $0x1;
	[bflag:$0x0] =	sbarrier.arrive $0xFFFF  }
0x63: {  	s31 =	simm.s32 $0x2;
	[sflag:s2] =	ssyncpa.u1 $0x1  }
0x64: {  	[sflag:s31] =	ssyncpa.u1 $0x1  }
0x65: {  	p0 =	sne.s32 s0, $0x0;
	_ =	strace $0x9000004A  }
0x66: {  	s0 =	sadd.s32 @!p0 $0x100000, s1;
	[bflag:$0x2] =	sbarrier.arrive $0xFFFF  }
0x67: {  	[sflag:s0] =	ssyncadd.tile.s32 @!p0 $0x1;
	_ =	shalt  }
.Lfunc_end1:
_tile_overlayer_lowered:
.L_overlay_start_2:
0x68: {  	(tag) =	ssettag $0x2  }
0x69: {  	s0 =	rddreg [dreg:$0x0];
	s2 =	stileid.u32  }
0x6a: {  	s1 =	rddreg [dreg:$0x1];
	p0 =	sne.s32 s2, $0x0  }
0x6b: {  	s3 =	rddreg [dreg:$0x2];
	[bflag:$0x3] =	sbarrier.arrive $0xFFFF;
	s2 =	simm.s32 @!p0 $0x1C01  }
0x6c: {  	[timem:s3], [sflag:s2] =	dma.local @!p0 [hbm:s0], s1  }
0x6d: {  	s0 =	simm.s32 @!p0 $0x1  }
0x6e: {  	_ =	swait.ge @!p0 [sflag:s0], s1  }
0x6f: {  	s1 =	ssub.s32 @!p0 $0x0, s1;
	[sflag:s0] =	ssyncset.done @!p0 $0x0  }
0x70: {  	[sflag:s0] =	ssyncadd.s32 @!p0 s1  }
0x71: {  	[bflag:$0x3] =	sbarrier.arrive $0xFFFF  }
0x72: {  	_ =	shalt  }

</sc_bundles>
